<compile_context>
chip_gen: v7x
topology: tpu7x:2x2x1
jax: 0.10.2.dev20260603
libtpu: 0.0.44.dev20260713+nightly
codegen_flags: <defaults>
</compile_context>

<pallas_src>
import functools

import jax
import jax.numpy as jnp
from jax import lax
from jax.experimental import pallas as pl
from jax.experimental.pallas import tpu as pltpu
from jax.experimental.pallas import tpu_sc as plsc

Q = 1024
D = 64
KB = 4096
_PAD_VAL = 1e18
_I32_MAX = 2**31 - 1


def _argmin_body(xT_ref, w_ref, idx_ref, best_val, best_idx,
                 *, n_rows, n_blocks):
    k = pl.program_id(0)

    @pl.when(k == 0)
    def _init():
        best_val[...] = jnp.full_like(best_val, float("inf"))
        best_idx[...] = jnp.full_like(best_idx, _I32_MAX)

    xT = xT_ref[...]
    w = w_ref[...]
    roww = k * KB + lax.broadcasted_iota(jnp.int32, (KB, D), 0)
    w = jnp.where(roww < n_rows, w, _PAD_VAL)
    w2 = w + w
    qb2 = lax.dot_general(w2, xT, (((1,), (0,)), ((), ())),
                          preferred_element_type=jnp.float32)
    q2 = jnp.sum(xT * xT, axis=0, keepdims=True)
    b2 = jnp.sum(w * w, axis=1, keepdims=True)
    s = (q2 + b2) - qb2
    cmin = jnp.min(s, axis=0, keepdims=True)
    loc = lax.broadcasted_iota(jnp.int32, (KB, Q), 0)
    cidx = jnp.min(jnp.where(s == cmin, loc, _I32_MAX), axis=0,
                   keepdims=True)
    improved = cmin < best_val[...]
    best_idx[...] = jnp.where(improved, cidx + k * KB, best_idx[...])
    best_val[...] = jnp.where(improved, cmin, best_val[...])

    @pl.when(k == n_blocks - 1)
    def _emit():
        idx_ref[...] = best_idx[...]


def _argmin_call(inputs_t, buffer):
    n_rows = buffer.shape[0]
    n_blocks = pl.cdiv(n_rows, KB)
    return pl.pallas_call(
        functools.partial(_argmin_body, n_rows=n_rows, n_blocks=n_blocks),
        grid=(n_blocks,),
        in_specs=[
            pl.BlockSpec((D, Q), lambda k: (0, 0)),
            pl.BlockSpec((KB, D), lambda k: (k, 0)),
        ],
        out_specs=pl.BlockSpec((1, Q), lambda k: (0, 0)),
        out_shape=jax.ShapeDtypeStruct((1, Q), jnp.int32),
        scratch_shapes=[
            pltpu.VMEM((1, Q), jnp.float32),
            pltpu.VMEM((1, Q), jnp.int32),
        ],
        compiler_params=pltpu.CompilerParams(
            dimension_semantics=("arbitrary",),
        ),
    )(inputs_t, buffer)


def _sc_gather(buffer, idx):
    info = plsc.get_sparse_core_info()
    nc, ns = info.num_cores, info.num_subcores
    nw = nc * ns
    bpw = Q // nw
    mesh = plsc.VectorSubcoreMesh(core_axis_name="c", subcore_axis_name="s")

    @functools.partial(
        pl.kernel,
        mesh=mesh,
        out_type=jax.ShapeDtypeStruct((Q, D), jnp.float32),
        scratch_types=[
            pltpu.VMEM((bpw,), jnp.int32),
            pltpu.VMEM((bpw, D), jnp.float32),
            pltpu.SemaphoreType.DMA,
        ],
        compiler_params=pltpu.CompilerParams(use_tc_tiling_on_sc=False),
    )
    def gather_kernel(table_hbm, idx_hbm, out_hbm, idx_v, rows_v, sem):
        wid = lax.axis_index("s") * nc + lax.axis_index("c")
        base = wid * bpw
        pltpu.sync_copy(idx_hbm.at[pl.ds(base, bpw)], idx_v)
        pltpu.async_copy(table_hbm.at[idx_v], rows_v, sem).wait()
        pltpu.sync_copy(rows_v, out_hbm.at[pl.ds(base, bpw)])

    return gather_kernel(buffer, idx)


def kernel(inputs, buffer):
    idx = _argmin_call(inputs.T, buffer)[0]
    return _sc_gather(buffer, idx)

# --- scband reference (transcript-rebuilt; emitter-appended) ---
"""Pipeline reference for scband-knnbuffer-74062416053213 (READ-ONLY COPY).

The authoritative reference and input builder live on the scoring server;
editing this copy changes nothing except your own understanding.
"""

import jax, jax.numpy as jnp
import numpy as np


def setup_inputs(seed: int = 0) -> dict:
    key = jax.random.key(seed)
    k1, k2 = jax.random.split(key)
    inputs = jax.random.normal(k1, (1024, 64), dtype=jnp.float32)
    buffer = jax.random.normal(k2, (100000, 64), dtype=jnp.float32)
    return {"inputs": inputs, "buffer": buffer}


def reference(inputs, buffer):
    # Test-time path of KNNBuffer.forward: for each query row, find the
    # buffer row with the smallest L2 distance (k=1 nearest neighbour) and
    # return that buffer row ('recalled' pattern).
    # Vectorized via ||q - b||^2 = ||q||^2 + ||b||^2 - 2 q.b ; argmin over
    # squared distance equals argmin over torch.norm (sqrt is monotonic),
    # and topk(k=1, largest=False) == argmin.
    q2 = jnp.sum(inputs * inputs, axis=1, keepdims=True)        # [Q, 1]
    b2 = jnp.sum(buffer * buffer, axis=1)[None, :]              # [1, K]
    d2 = q2 + b2 - 2.0 * (inputs @ buffer.T)                    # [Q, K]
    d2 = jnp.maximum(d2, 0.0)
    # top-1 smallest distance -> top_k on negated distances
    _, idx = jax.lax.top_k(-d2, 1)                              # [Q, 1]
    idx = idx[:, 0]                                             # [Q]
    recalled = jnp.take(buffer, idx, axis=0)                    # [Q, d]
    return recalled

if __name__ == "__main__":
    import jax
    _d = setup_inputs()
    print(jax.jit(kernel)(*tuple(_d.values())))

</pallas_src>

<mosaic_0001>
#map = affine_map<(d0, d1) -> (0, 0)>
#map1 = affine_map<(d0, d1) -> (0)>
module attributes {stable_mosaic.version = 14 : i64} {
  func.func @gather_kernel(%arg0: i32, %arg1: i32, %arg2: memref<100000x64xf32, #tpu.memory_space<hbm>>, %arg3: memref<1024xi32, #tpu.memory_space<hbm>>, %arg4: memref<1024x64xf32, #tpu.memory_space<hbm>>, %arg5: memref<32xi32, #tpu.memory_space<vmem>>, %arg6: memref<32x64xf32, #tpu.memory_space<vmem>>, %arg7: memref<!tpu.dma_semaphore, #tpu.memory_space<semaphore_mem>>) attributes {dimension_semantics = [#tpu.dimension_semantics<core_parallel>, #tpu.dimension_semantics<subcore_parallel>], iteration_bounds = array<i64: 2, 16>, scalar_prefetch = 0 : i64, scratch_operands = 3 : i64, tpu.core_type = #tpu.core_type<sc_vector_subcore>, window_params = [{transform_indices = #map}, {transform_indices = #map1}, {transform_indices = #map}]} {
    %mul3A = arith.constant 2 : i32
    %mul3A_0 = arith.muli %arg1, %mul3A : i32
    %add3A = arith.addi %mul3A_0, %arg0 : i32
    %mul3A_1 = arith.constant 32 : i32
    %mul3A_2 = arith.muli %add3A, %mul3A_1 : i32
    "tpu.region"() ({
      %run_scoped3A = tpu.sem_alloc : memref<!tpu.dma_semaphore, #tpu.memory_space<semaphore_mem>>
      %dma_start3A_7 = tpu.memref_slice %arg3[%mul3A_2] : memref<1024xi32, #tpu.memory_space<hbm>> -> memref<32xi32, #tpu.memory_space<hbm>>
      %dma_start3A_8 = tpu.memref_slice %arg3[%mul3A_2] : memref<1024xi32, #tpu.memory_space<hbm>> -> memref<32xi32, #tpu.memory_space<hbm>>
      tpu.enqueue_dma source(%dma_start3A_8 : memref<32xi32, #tpu.memory_space<hbm>>) target(%arg5 : memref<32xi32, #tpu.memory_space<vmem>>) target_semaphore(%run_scoped3A : memref<!tpu.dma_semaphore, #tpu.memory_space<semaphore_mem>>)
      %dma_wait3A_9 = tpu.memref_slice %arg3[%mul3A_2] : memref<1024xi32, #tpu.memory_space<hbm>> -> memref<32xi32, #tpu.memory_space<hbm>>
      %dma_wait3A_10 = tpu.memref_slice %arg3[%mul3A_2] : memref<1024xi32, #tpu.memory_space<hbm>> -> memref<32xi32, #tpu.memory_space<hbm>>
      tpu.wait_dma2 semaphore(%run_scoped3A : memref<!tpu.dma_semaphore, #tpu.memory_space<semaphore_mem>>) src(%dma_wait3A_10 : memref<32xi32, #tpu.memory_space<hbm>>) dst(%arg5 : memref<32xi32, #tpu.memory_space<vmem>>)
      tpu.yield
    }) : () -> ()
    %dma_start3A = arith.constant 0 : i32
    %dma_start3A_3 = arith.constant 0 : i32
    %dma_start3A_4 = tpu.memref_slice %arg2[%dma_start3A, %dma_start3A_3] : memref<100000x64xf32, #tpu.memory_space<hbm>> -> memref<100000x64xf32, #tpu.memory_space<hbm>>
    tpu.enqueue_indirect_dma source(%dma_start3A_4 : memref<100000x64xf32, #tpu.memory_space<hbm>>) target(%arg6 : memref<32x64xf32, #tpu.memory_space<vmem>>) offsets(%arg5 : memref<32xi32, #tpu.memory_space<vmem>>) semaphore(%arg7 : memref<!tpu.dma_semaphore, #tpu.memory_space<semaphore_mem>>)
    %dma_wait3A = arith.constant 0 : i32
    %dma_wait3A_5 = arith.constant 0 : i32
    %dma_wait3A_6 = tpu.memref_slice %arg2[%dma_wait3A, %dma_wait3A_5] : memref<100000x64xf32, #tpu.memory_space<hbm>> -> memref<100000x64xf32, #tpu.memory_space<hbm>>
    tpu.wait_indirect_dma semaphore(%arg7 : memref<!tpu.dma_semaphore, #tpu.memory_space<semaphore_mem>>) src(%dma_wait3A_6 : memref<100000x64xf32, #tpu.memory_space<hbm>>) dst(%arg6 : memref<32x64xf32, #tpu.memory_space<vmem>>)
    "tpu.region"() ({
      %run_scoped3A = tpu.sem_alloc : memref<!tpu.dma_semaphore, #tpu.memory_space<semaphore_mem>>
      %dma_start3A_7 = arith.constant 0 : i32
      %dma_start3A_8 = tpu.memref_slice %arg4[%mul3A_2, %dma_start3A_7] : memref<1024x64xf32, #tpu.memory_space<hbm>> -> memref<32x64xf32, #tpu.memory_space<hbm>>
      %dma_start3A_9 = arith.constant 0 : i32
      %dma_start3A_10 = tpu.memref_slice %arg4[%mul3A_2, %dma_start3A_9] : memref<1024x64xf32, #tpu.memory_space<hbm>> -> memref<32x64xf32, #tpu.memory_space<hbm>>
      tpu.enqueue_dma source(%arg6 : memref<32x64xf32, #tpu.memory_space<vmem>>) target(%dma_start3A_10 : memref<32x64xf32, #tpu.memory_space<hbm>>) target_semaphore(%run_scoped3A : memref<!tpu.dma_semaphore, #tpu.memory_space<semaphore_mem>>)
      %dma_wait3A_11 = arith.constant 0 : i32
      %dma_wait3A_12 = tpu.memref_slice %arg4[%mul3A_2, %dma_wait3A_11] : memref<1024x64xf32, #tpu.memory_space<hbm>> -> memref<32x64xf32, #tpu.memory_space<hbm>>
      %dma_wait3A_13 = arith.constant 0 : i32
      %dma_wait3A_14 = tpu.memref_slice %arg4[%mul3A_2, %dma_wait3A_13] : memref<1024x64xf32, #tpu.memory_space<hbm>> -> memref<32x64xf32, #tpu.memory_space<hbm>>
      tpu.wait_dma2 semaphore(%run_scoped3A : memref<!tpu.dma_semaphore, #tpu.memory_space<semaphore_mem>>) src(%arg6 : memref<32x64xf32, #tpu.memory_space<vmem>>) dst(%dma_wait3A_14 : memref<32x64xf32, #tpu.memory_space<hbm>>)
      tpu.yield
    }) : () -> ()
    return
  }
}

module attributes {stable_mosaic.version = 14 : i64} {
  func.func @_argmin_body(%arg0: i32, %arg1: memref<64x1024xf32, #tpu.memory_space<vmem>>, %arg2: memref<4096x64xf32, #tpu.memory_space<vmem>>, %arg3: memref<1x1024xi32, #tpu.memory_space<vmem>>, %arg4: memref<1x1024xf32, #tpu.memory_space<vmem>>, %arg5: memref<1x1024xi32, #tpu.memory_space<vmem>>) attributes {dimension_semantics = [#tpu.dimension_semantics<arbitrary>], iteration_bounds = array<i64: 25>, scalar_prefetch = 0 : i64, scratch_operands = 2 : i64, tpu.core_type = #tpu.core_type<tc>, window_params = [{pipeline_mode = #tpu.pipeline_mode<synchronous>, transform_indices = @transform_0, window_bounds = array<i64: 64, 1024>}, {transform_indices = @transform_1, window_bounds = array<i64: 4096, 64>}, {pipeline_mode = #tpu.pipeline_mode<synchronous>, transform_indices = @transform_2, window_bounds = array<i64: 1, 1024>}]} {
    %eq3A = arith.constant 0 : i32
    %eq3A_0 = arith.cmpi eq, %arg0, %eq3A : i32
    %convert_element_type3A = arith.extui %eq3A_0 : i1 to i32
    %cond3A = arith.constant 0 : i32
    %cond3A_1 = arith.cmpi ne, %convert_element_type3A, %cond3A : i32
    scf.if %cond3A_1 {
      %broadcast_in_dim3A_60 = arith.constant 0x7F800000 : f32
      %broadcast_in_dim3A_61 = vector.broadcast %broadcast_in_dim3A_60 : f32 to vector<1x1024xf32>
      %swap3A_62 = arith.constant 0 : index
      %swap3A_63 = arith.constant 0 : index
      %swap3A_64 = vector.load %arg4[%swap3A_62, %swap3A_63] : memref<1x1024xf32, #tpu.memory_space<vmem>>, vector<1x1024xf32>
      tpu.vector_store %arg4[%swap3A_62, %swap3A_63], %broadcast_in_dim3A_61 {strides = array<i32>} : memref<1x1024xf32, #tpu.memory_space<vmem>>, vector<1x1024xf32>,
      %broadcast_in_dim3A_65 = arith.constant 2147483647 : i32
      %broadcast_in_dim3A_66 = vector.broadcast %broadcast_in_dim3A_65 : i32 to vector<1x1024xi32>
      %swap3A_67 = arith.constant 0 : index
      %swap3A_68 = arith.constant 0 : index
      %swap3A_69 = vector.load %arg5[%swap3A_67, %swap3A_68] : memref<1x1024xi32, #tpu.memory_space<vmem>>, vector<1x1024xi32>
      tpu.vector_store %arg5[%swap3A_67, %swap3A_68], %broadcast_in_dim3A_66 {strides = array<i32>} : memref<1x1024xi32, #tpu.memory_space<vmem>>, vector<1x1024xi32>,
    } else {
    }
    %get3A = arith.constant 0 : index
    %get3A_2 = arith.constant 0 : index
    %get3A_3 = vector.load %arg1[%get3A, %get3A_2] : memref<64x1024xf32, #tpu.memory_space<vmem>>, vector<64x1024xf32>
    %get3A_4 = arith.constant 0 : index
    %get3A_5 = arith.constant 0 : index
    %get3A_6 = vector.load %arg2[%get3A_4, %get3A_5] : memref<4096x64xf32, #tpu.memory_space<vmem>>, vector<4096x64xf32>
    %mul3A = arith.constant 4096 : i32
    %mul3A_7 = arith.muli %arg0, %mul3A : i32
    %iota3A = tpu.iota {dimensions = array<i32: 0>} : vector<4096x64xi32>
    %add3A = vector.broadcast %mul3A_7 : i32 to vector<4096x64xi32>
    %add3A_8 = arith.addi %add3A, %iota3A : vector<4096x64xi32>
    %lt3A = arith.constant 100000 : i32
    %lt3A_9 = vector.broadcast %lt3A : i32 to vector<4096x64xi32>
    %lt3A_10 = arith.cmpi slt, %add3A_8, %lt3A_9 : vector<4096x64xi32>
    %jit3A = arith.constant 9.99999984E+17 : f32
    %broadcast_in_dim3A = vector.broadcast %jit3A : f32 to vector<4096x64xf32>
    %select_n3A = arith.select %lt3A_10, %get3A_6, %broadcast_in_dim3A : vector<4096x64xi1>, vector<4096x64xf32>
    %add3A_11 = arith.addf %select_n3A, %select_n3A : vector<4096x64xf32>
    %dot_general3A = arith.constant dense<0.000000e+00> : vector<4096x1024xf32>
    %dot_general3A_12 = tpu.matmul %add3A_11, %get3A_3, %dot_general3A {dimension_numbers = #tpu.dot_dimension_numbers<[1], [0], [0], [1], [0, 0, 1, 1], [], []>, transpose_lhs_hint = false} : vector<4096x64xf32>, vector<64x1024xf32>, vector<4096x1024xf32> -> vector<4096x1024xf32>
    %mul3A_13 = arith.mulf %get3A_3, %get3A_3 : vector<64x1024xf32>
    %reduce_sum3A = arith.constant dense<0.000000e+00> : vector<1024xf32>
    %reduce_sum3A_14 = vector.multi_reduction <add>, %mul3A_13, %reduce_sum3A [0] : vector<64x1024xf32> to vector<1024xf32>
    %broadcast_in_dim3A_15 = vector.shape_cast %reduce_sum3A_14 : vector<1024xf32> to vector<1x1024xf32>
    %mul3A_16 = arith.mulf %select_n3A, %select_n3A : vector<4096x64xf32>
    %reduce_sum3A_17 = arith.constant dense<0.000000e+00> : vector<4096xf32>
    %reduce_sum3A_18 = vector.multi_reduction <add>, %mul3A_16, %reduce_sum3A_17 [1] : vector<4096x64xf32> to vector<4096xf32>
    %broadcast_in_dim3A_19 = vector.shape_cast %reduce_sum3A_18 : vector<4096xf32> to vector<4096x1xf32>
    %add3A_20 = vector.broadcast %broadcast_in_dim3A_15 : vector<1x1024xf32> to vector<4096x1024xf32>
    %add3A_21 = vector.broadcast %broadcast_in_dim3A_19 : vector<4096x1xf32> to vector<4096x1024xf32>
    %add3A_22 = arith.addf %add3A_20, %add3A_21 : vector<4096x1024xf32>
    %sub3A = arith.subf %add3A_22, %dot_general3A_12 : vector<4096x1024xf32>
    %reduce_min3A = arith.constant dense<0x7F800000> : vector<1024xf32>
    %reduce_min3A_23 = vector.multi_reduction <minimumf>, %sub3A, %reduce_min3A [0] : vector<4096x1024xf32> to vector<1024xf32>
    %broadcast_in_dim3A_24 = vector.shape_cast %reduce_min3A_23 : vector<1024xf32> to vector<1x1024xf32>
    %iota3A_25 = tpu.iota {dimensions = array<i32: 0>} : vector<4096x1024xi32>
    %eq3A_26 = vector.broadcast %broadcast_in_dim3A_24 : vector<1x1024xf32> to vector<4096x1024xf32>
    %eq3A_27 = arith.cmpf oeq, %sub3A, %eq3A_26 : vector<4096x1024xf32>
    %jit3A_28 = arith.constant 2147483647 : i32
    %broadcast_in_dim3A_29 = vector.broadcast %jit3A_28 : i32 to vector<4096x1024xi32>
    %select_n3A_30 = arith.select %eq3A_27, %iota3A_25, %broadcast_in_dim3A_29 : vector<4096x1024xi1>, vector<4096x1024xi32>
    %reduce_min3A_31 = arith.constant dense<2147483647> : vector<1024xi32>
    %reduce_min3A_32 = vector.multi_reduction <minsi>, %select_n3A_30, %reduce_min3A_31 [0] : vector<4096x1024xi32> to vector<1024xi32>
    %broadcast_in_dim3A_33 = vector.shape_cast %reduce_min3A_32 : vector<1024xi32> to vector<1x1024xi32>
    %get3A_34 = arith.constant 0 : index
    %get3A_35 = arith.constant 0 : index
    %get3A_36 = vector.load %arg4[%get3A_34, %get3A_35] : memref<1x1024xf32, #tpu.memory_space<vmem>>, vector<1x1024xf32>
    %lt3A_37 = arith.cmpf olt, %broadcast_in_dim3A_24, %get3A_36 : vector<1x1024xf32>
    %mul3A_38 = arith.constant 4096 : i32
    %mul3A_39 = arith.muli %arg0, %mul3A_38 : i32
    %add3A_40 = vector.broadcast %mul3A_39 : i32 to vector<1x1024xi32>
    %add3A_41 = arith.addi %broadcast_in_dim3A_33, %add3A_40 : vector<1x1024xi32>
    %get3A_42 = arith.constant 0 : index
    %get3A_43 = arith.constant 0 : index
    %get3A_44 = vector.load %arg5[%get3A_42, %get3A_43] : memref<1x1024xi32, #tpu.memory_space<vmem>>, vector<1x1024xi32>
    %select_n3A_45 = arith.select %lt3A_37, %add3A_41, %get3A_44 : vector<1x1024xi1>, vector<1x1024xi32>
    %swap3A = arith.constant 0 : index
    %swap3A_46 = arith.constant 0 : index
    %swap3A_47 = vector.load %arg5[%swap3A, %swap3A_46] : memref<1x1024xi32, #tpu.memory_space<vmem>>, vector<1x1024xi32>
    tpu.vector_store %arg5[%swap3A, %swap3A_46], %select_n3A_45 {strides = array<i32>} : memref<1x1024xi32, #tpu.memory_space<vmem>>, vector<1x1024xi32>,
    %get3A_48 = arith.constant 0 : index
    %get3A_49 = arith.constant 0 : index
    %get3A_50 = vector.load %arg4[%get3A_48, %get3A_49] : memref<1x1024xf32, #tpu.memory_space<vmem>>, vector<1x1024xf32>
    %select_n3A_51 = arith.select %lt3A_37, %broadcast_in_dim3A_24, %get3A_50 : vector<1x1024xi1>, vector<1x1024xf32>
    %swap3A_52 = arith.constant 0 : index
    %swap3A_53 = arith.constant 0 : index
    %swap3A_54 = vector.load %arg4[%swap3A_52, %swap3A_53] : memref<1x1024xf32, #tpu.memory_space<vmem>>, vector<1x1024xf32>
    tpu.vector_store %arg4[%swap3A_52, %swap3A_53], %select_n3A_51 {strides = array<i32>} : memref<1x1024xf32, #tpu.memory_space<vmem>>, vector<1x1024xf32>,
    %eq3A_55 = arith.constant 24 : i32
    %eq3A_56 = arith.cmpi eq, %arg0, %eq3A_55 : i32
    %convert_element_type3A_57 = arith.extui %eq3A_56 : i1 to i32
    %cond3A_58 = arith.constant 0 : i32
    %cond3A_59 = arith.cmpi ne, %convert_element_type3A_57, %cond3A_58 : i32
    scf.if %cond3A_59 {
      %get3A_60 = arith.constant 0 : index
      %get3A_61 = arith.constant 0 : index
      %get3A_62 = vector.load %arg5[%get3A_60, %get3A_61] : memref<1x1024xi32, #tpu.memory_space<vmem>>, vector<1x1024xi32>
      %swap3A_63 = arith.constant 0 : index
      %swap3A_64 = arith.constant 0 : index
      %swap3A_65 = vector.load %arg3[%swap3A_63, %swap3A_64] : memref<1x1024xi32, #tpu.memory_space<vmem>>, vector<1x1024xi32>
      tpu.vector_store %arg3[%swap3A_63, %swap3A_64], %get3A_62 {strides = array<i32>} : memref<1x1024xi32, #tpu.memory_space<vmem>>, vector<1x1024xi32>,
    } else {
    }
    return
  }
  func.func @transform_0(%arg0: i32) -> (i32, i32) {
    %c0_i32 = arith.constant 0 : i32
    %c0_i32_0 = arith.constant 0 : i32
    %c0_i32_1 = arith.constant 0 : i32
    return %c0_i32, %c0_i32_0 : i32, i32
  }
  func.func @transform_1(%arg0: i32) -> (i32, i32) {
    %c0_i32 = arith.constant 0 : i32
    %c0_i32_0 = arith.constant 0 : i32
    return %arg0, %c0_i32 : i32, i32
  }
  func.func @transform_2(%arg0: i32) -> (i32, i32) {
    %c0_i32 = arith.constant 0 : i32
    %c0_i32_0 = arith.constant 0 : i32
    %c0_i32_1 = arith.constant 0 : i32
    return %c0_i32, %c0_i32_0 : i32, i32
  }
}

</mosaic_0001>

<sc_bundles>
// kernel: kernel.4.cloned.1.call-start
scs
__scs_entry_jumppad:
0x0: {  	(pc) =	sbr.rel $0x88, $3  }
0x1: {  	(tag) =	ssettag $0x0;
	lr =	simm.s32 $0x1  }
0x2: {  	[smem:$0x3F9F] =	sst lr;
	_ =	strace $0xD0000000  }
0x3: {  	_ = 	snop  }
0x4: {  	_ = 	snop  }
0x5: {  	_ = 	snop  }
0x6: {  	_ = 	snop  }
0x7: {  	_ = 	snop  }
__scs_overlays_trampoline_lowered:
0x8: {  	[smem:$0x3FAE] =	sst s0  }
0x9: {  	[smem:$0x3FAF] =	sst s1  }
0xa: {  	[smem:$0x3FB0] =	sst s2  }
0xb: {  	[smem:$0x3FB1] =	sst s3  }
0xc: {  	[smem:$0x3FB2] =	sst s4  }
0xd: {  	[smem:$0x3FB3] =	sst s5  }
0xe: {  	[smem:$0x3FB4] =	sst s6  }
0xf: {  	[smem:$0x3FB5] =	sst s7  }
0x10: {  	[smem:$0x3FB6] =	sst s8  }
0x11: {  	[smem:$0x3FB7] =	sst s9;
	s0 =	simm.s32 @!p0 $0x0  }
0x12: {  	s1 =	sld [smem:$0x3F9D];
	s0 =	simm.s32 @p0 $0x1  }
0x13: {  	[smem:$0x3FB8] =	sst s0;
	s0 =	simm.s32 @!p1 $0x0  }
0x14: {  	s2 =	sld [smem:$0x3F9C];
	s0 =	simm.s32 @p1 $0x1  }
0x15: {  	[smem:$0x3FB9] =	sst s0;
	s0 =	simm.s32 @!p2 $0x0  }
0x16: {  	s3 =	sld [smem:$0x3FDB];
	s0 =	simm.s32 @p2 $0x1  }
0x17: {  	s4 =	simm.s32 $0x1BF5;
	[smem:$0x3FBB] =	sst s0  }
0x18: {  	s0 =	sld [smem:$0x3F9E];
	_ =	swait.ge [sflag:s4], $0x0  }
0x19: {  	s7 =	sld [smem:$0x3F9F]  }
0x1a: {  	s8 =	sadd.s32 $0xFFFFE003, lr  }
0x1b: {  	s9 =	sadd.s32 $0xFFFFFEF7, lr;
	s5 =	simm.s32 $0xFFFFFFFF;
	p2 =	slt.u32 s8, $0xFFFFF086  }
0x1c: {  	p1 =	slt.u32 s9, $0xF7A;
	s5 =	simm.s32 @!p2 $0x0  }
0x1d: {  	s5 =	simm.s32 @p1 $0x1;
	p0 =	seq.s32 s7, s2  }
0x1e: {  	s7 =	smul.u32 @!p0 $0xF7A, s2;
	p2 =	seq.s32 @!p0 s5, $0x0  }
0x1f: {  	s9 =	smul.u32 $0xF7A, s1;
	s8 =	simm.s32 @!p0 $0x1BF5;
	p2 =	por !p2, p0  }
0x20: {  	[sflag:s8] =	ssyncset.s32 @!p0 $0xFFFFF086;
	s6 =	sadd.s32 @!p0 s3, s7;
	s7 =	simm.s32 @!p0 $0x108  }
0x21: {  	s3 =	sadd.s32 s3, s9;
	s6 =	sadd.s32 @!p0 $0x88, s6;
	s7 =	simm.s32 @p2 $0x1082  }
0x22: {  	[simem:s7], [sflag:s8] =	dma.local @!p0 [hbm:s6], $0xF7A  }
0x23: {  	s9 =	sor.u32 $0xD0000000, s2;
	s6 =	simm.s32 $0x108;
	_ =	swait.ge @!p0 [sflag:s8], $0x0  }
0x24: {  	s3 =	sadd.s32 $0x88, s3;
	s6 =	simm.s32 @!p1 $0x1082;
	[sflag:s4] =	ssyncset.s32 $0xFFFFF086  }
0x25: {  	[simem:s6], [sflag:s4] =	dma.local [hbm:s3], $0xF7A  }
0x26: {  	[smem:$0x3F9F] =	sst s1;
	(tag) =	ssettag s2;
	_ =	strace s9  }
0x27: {  	s1 =	sld [smem:$0x3FAF]  }
0x28: {  	s2 =	sld [smem:$0x3FB0]  }
0x29: {  	s4 =	sld [smem:$0x3FB2]  }
0x2a: {  	p0 =	seq.s32 s5, $0x0;
	s5 =	sld [smem:$0x3FB3]  }
0x2b: {  	s6 =	sld [smem:$0x3FB4]  }
0x2c: {  	s7 =	sld [smem:$0x3FB5]  }
0x2d: {  	s3 =	simm.s32 $0x108;
	s8 =	sld [smem:$0x3FB6]  }
0x2e: {  	s3 =	simm.s32 @!p0 $0x1082;
	s9 =	sld [smem:$0x3FB7]  }
0x2f: {  	lr =	sadd.s32 s0, s3;
	s0 =	sld [smem:$0x3FAE]  }
0x30: {  	s3 =	sld [smem:$0x3FB1]  }
0x31: {  	[smem:$0x3FBA] =	sst s10  }
0x32: {  	s10 =	sld [smem:$0x3FB8];
	_ =	sdelay $0x3  }
0x33: {  	p0 =	seq.s32 s10, $0x1;
	s10 =	sld [smem:$0x3FBA];
	_ =	sdelay $0x3  }
0x34: {  	[smem:$0x3FBA] =	sst s10  }
0x35: {  	s10 =	sld [smem:$0x3FB9];
	_ =	sdelay $0x3  }
0x36: {  	p1 =	seq.s32 s10, $0x1;
	s10 =	sld [smem:$0x3FBA];
	_ =	sdelay $0x3  }
0x37: {  	[smem:$0x3FBA] =	sst s10  }
0x38: {  	s10 =	sld [smem:$0x3FBB]  }
0x39: {  	_ = 	snop;
	(pc) =	sbr.ind lr, $3  }
0x3a: {  	_ = 	snop  }
0x3b: {  	_ = 	snop  }
0x3c: {  	p2 =	seq.s32 s10, $0x1;
	s10 =	sld [smem:$0x3FBA]  }
0x3d: {  	_ =	shalt  }
0x3e: {  	_ =	shalt  }
0x3f: {  	_ =	shalt  }
0x40: {  	_ =	shalt  }
0x41: {  	_ =	shalt  }
0x42: {  	_ =	shalt  }
0x43: {  	_ =	shalt  }
0x44: {  	_ =	shalt  }
0x45: {  	_ =	shalt  }
0x46: {  	_ =	shalt  }
0x47: {  	_ =	shalt  }
0x48: {  	_ =	shalt  }
0x49: {  	_ =	shalt  }
0x4a: {  	_ =	shalt  }
0x4b: {  	_ =	shalt  }
0x4c: {  	_ =	shalt  }
0x4d: {  	_ =	shalt  }
0x4e: {  	_ =	shalt  }
0x4f: {  	_ =	shalt  }
0x50: {  	_ =	shalt  }
0x51: {  	_ =	shalt  }
0x52: {  	_ =	shalt  }
0x53: {  	_ =	shalt  }
0x54: {  	_ =	shalt  }
0x55: {  	_ =	shalt  }
0x56: {  	_ =	shalt  }
0x57: {  	_ =	shalt  }
0x58: {  	_ =	shalt  }
0x59: {  	_ =	shalt  }
0x5a: {  	_ =	shalt  }
0x5b: {  	_ =	shalt  }
0x5c: {  	_ =	shalt  }
0x5d: {  	_ =	shalt  }
0x5e: {  	_ =	shalt  }
0x5f: {  	_ =	shalt  }
0x60: {  	_ =	shalt  }
0x61: {  	_ =	shalt  }
0x62: {  	_ =	shalt  }
0x63: {  	_ =	shalt  }
0x64: {  	_ =	shalt  }
0x65: {  	_ =	shalt  }
0x66: {  	_ =	shalt  }
0x67: {  	_ =	shalt  }
0x68: {  	_ =	shalt  }
0x69: {  	_ =	shalt  }
0x6a: {  	_ =	shalt  }
0x6b: {  	_ =	shalt  }
0x6c: {  	_ =	shalt  }
0x6d: {  	_ =	shalt  }
0x6e: {  	_ =	shalt  }
0x6f: {  	_ =	shalt  }
0x70: {  	_ =	shalt  }
0x71: {  	_ =	shalt  }
0x72: {  	_ =	shalt  }
0x73: {  	_ =	shalt  }
0x74: {  	_ =	shalt  }
0x75: {  	_ =	shalt  }
0x76: {  	_ =	shalt  }
0x77: {  	_ =	shalt  }
0x78: {  	_ =	shalt  }
0x79: {  	_ =	shalt  }
0x7a: {  	_ =	shalt  }
0x7b: {  	_ =	shalt  }
0x7c: {  	_ =	shalt  }
0x7d: {  	_ =	shalt  }
0x7e: {  	_ =	shalt  }
0x7f: {  	_ =	shalt  }
0x80: {  	_ =	shalt  }
0x81: {  	_ =	shalt  }
0x82: {  	_ =	shalt  }
0x83: {  	_ =	shalt  }
0x84: {  	_ =	shalt  }
0x85: {  	_ =	shalt  }
0x86: {  	_ =	shalt  }
0x87: {  	_ =	shalt  }
.Lfunc_end0:
.L_simem_size_0:
called_computation_lowered:
.L_overlay_start_0:
0x88: {  	s2 =	sld [smem:$0x3FD9]  }
0x89: {  	s3 =	sld [smem:$0x3FFE];
	_ =	sdelay $0x1  }
0x8a: {  	s1 =	srdreg.scid  }
0x8b: {  	s0 =	sand.u32 $0x1, s1  }
0x8c: {  	s17 =	sshll.u32 s0, $0xA;
	s2 =	sadd.s32 s3, s2  }
0x8d: {  	s2 =	sadd.s32 s2, s17  }
0x8e: {  	[smem:$0x3FC6] =	sst s2  }
0x8f: {  	_ = 	snop  }
0x90: {  	s2 =	sld [smem:$0x3FD0];
	(tm) =	ssettm $0x1  }
0x91: {  	s18 =	sld [smem:$0x3FFB];
	_ =	sdelay $0x3  }
0x92: {  	_ =	strace s18  }
0x93: {  	s3 =	sld [smem:$0x3FFC];
	_ =	sdelay $0x3  }
0x94: {  	_ =	strace s3  }
0x95: {  	s3 =	sld [smem:$0x3FFD];
	_ =	sdelay $0x3  }
0x96: {  	_ =	strace s3  }
0x97: {  	_ =	strace $0x8FFFFFFF  }
0x98: {  	s19 =	sld [smem:$0x3FDB];
	_ =	sdelay $0x1  }
0x99: {  	s4 =	simm.s32 $_scs_section_size  }
0x9a: {  	s5 =	simm.s32 $_size__tile_overlayer_lowered;
	s6 =	simm.s32 $_tile_overlayer_lowered  }
0x9b: {  	s22 =	simm.s32 $0x1BFF;
	s21 =	sshll.u32 s6, $0x1;
	s3 =	sadd.s32 s4, s19  }
0x9c: {  	s7 =	simm.s32 $0x0;
	s20 =	sshll.u32 s5, $0x1;
	s5 =	sadd.s32 s21, s3  }
0x9d: {  	[timem:s7], [sflag:s22] =	dma.local [hbm:s5], s20  }
0x9e: {  	_ =	swait.ge [sflag:s22], s20  }
0x9f: {  	s4 =	ssub.s32 $0x0, s20;
	[sflag:s22] =	ssyncset.done $0x0  }
0xa0: {  	[sflag:s22] =	ssyncadd.s32 s4;
	_ =	sdelay $0x1  }
0xa1: {  	s23 =	simm.s32 $0x1B8B  }
0xa2: {  	_ =	swait.ge [sflag:s23], $0x1  }
0xa3: {  	[sflag:s23] =	ssyncset.done $0x0  }
0xa4: {  	s25 =	simm.s32 $0x1B8E;
	s24 =	sld [smem:$0x3FFE];
	[sflag:s23] =	ssyncadd.s32 $0xFFFFFFFF  }
0xa5: {  	s26 =	simm.s32 $execute0_lowered;
	[smem:$0x3FD2] =	sst s25  }
0xa6: {  	s5 =	sshll.u32 s26, $0x1;
	_ =	strace $0x80000046;
	[dreg:$0x1] =	wrdreg $0xFFFFFFFF  }
0xa7: {  	s28 =	simm.s32 $_size_execute0_lowered;
	s3 =	sadd.s32 s3, s5;
	[dreg:$0x0] =	wrdreg $0x0  }
0xa8: {  	s5 =	sshll.u32 s28, $0x1;
	[dreg:$0x2] =	wrdreg s3  }
0xa9: {  	[dreg:$0x3] =	wrdreg s5  }
0xaa: {  	[dreg:$0x4] =	wrdreg $0xC0  }
0xab: {  	_ =	task [dreg:s7], $0x5FFFF  }
0xac: {  	[dreg:$0x1] =	wrdreg $0xFFFFFFFF  }
0xad: {  	[dreg:$0x0] =	wrdreg $0x60  }
0xae: {  	[dreg:$0x2] =	wrdreg s24  }
0xaf: {  	[dreg:$0x3] =	wrdreg s2  }
0xb0: {  	[dreg:$0x4] =	wrdreg $0x9  }
0xb1: {  	_ =	task.clear_ibuf [dreg:s7], $0x5FFFF;
	_ =	strace $0x90000046  }
0xb2: {  	s29 =	simm.s32 $0x9;
	_ =	strace $0x80000048  }
0xb3: {  	_ =	swait.ge [sflag:s29], $0x1  }
0xb4: {  	[sflag:s29] =	ssyncadd.s32 $0xFFFFFFFF  }
0xb5: {  	_ =	strace $0x90000048  }
0xb6: {  	_ =	sfence  }
0xb7: {  	s30 =	sld [smem:$0x0];
	_ =	sdelay $0x2  }
0xb8: {  	s31 =	sshll.u32 s1, $0xD;
	s1 =	sshrl.u32 s1, $0x2  }
0xb9: {  	s3 =	sand.u32 $0x4000, s31;
	s1 =	sadd.s32 s1, s30  }
0xba: {  	s0 =	sor.u32 s3, s0;
	s1 =	sshll.u32 s1, $0x11  }
0xbb: {  	s0 =	sor.u32 s1, s0  }
0xbc: {  	s0 =	sadd.s32 $0x8F2B, s0  }
0xbd: {  	[sflag:s0] =	ssyncadd.remote.s32 $0x1  }
0xbe: {  	_ =	sfence.sel $0xFFFF  }
0xbf: {  	[dreg:$0x0] =	wrdreg $0xFFFFFFFF;
	(pc) =	sbr.abs _section_cstart, $3  }
0xc0: {  	[dreg:$0x1] =	wrdreg $0xFFFFFFFF  }
0xc1: {  	_ =	task.clear_ibuf [dreg:s7], $0x2FFFF;
	_ =	strace $0x9FFFFFFF  }
0xc2: {  	(tm) =	ssettm $0x7FFFFFFF  }
0xc3: {  	_ =	shalt  }
tec
execute0_lowered:
.L_overlay_start_1:
0x0: {  	(tag) =	ssettag $0x1  }
0x1: {  	s1 =	srdreg.scid  }
0x2: {  	s0 =	stileid.u32;
	s6 =	sand.u32 $0x1, s1  }
0x3: {  	s5 =	rddreg [dreg:$0x0];
	s30 =	sshll.u32 s0, $0x6;
	s2 =	sshll.u32 s6, $0x5  }
0x4: {  	s8 =	rddreg [dreg:$0x1];
	s9 =	sor.u32 s2, s30  }
0x5: {  	s1 =	rddreg [dreg:$0x2];
	s2 =	simm.s32 $0x0;
	s3 =	sshrl.u32 s9, $0x3  }
0x6: {  	s10 =	ssub.s32 $0x2, s6;
	[smem:$0x7FF] =	sst s2;
	s3 =	sadd.s32 s3, s5  }
0x7: {  	_ =	strace $0x80000047;
	s4 =	sadd.s32 $0x800, s3;
	s3 =	simm.s32 $0x2  }
0x8: {  	[tilespmem:s2], [sflag:$0x2] =	stream.linear.gather [hbm4b:s4+s2], $0x20, $0x38;
	[tilespmem:$0x820] =	vst v63  }
0x9: {  	s7 =	simm.s32 $0x1;
	s11 =	sshrl.u32 s10, $0x1;
	_ =	swait.ge [sflag:s3], $0x20  }
0xa: {  	s6 =	simm.s32 $0x20;
	s10 =	ssub.s32 s10, s11;
	[sflag:s3] =	ssyncset.done $0x0  }
0xb: {  	s5 =	sadd.s32 $0x187200, s5;
	s31 =	smax.u32 s10, $0x1;
	[sflag:s3] =	ssyncadd.s32 $0xFFFFFFE0  }
0xc: {  	[tilespmem:s6], [sflag:$0x1] =	stream.indirect.gather [hbm4b:s5+s6], $0x40, s2, s6, $0xb8;
	[tilespmem:$0x820] =	vst v63  }
0xd: {  	p0 =	sne.s32 s31, $0x1;
	_ =	swait.ge [sflag:s7], $0x800  }
.Ltmp0:
0xe: {  	s9 =	sshll.u32 s9, $0x3;
	[sflag:s7] =	ssyncset.done $0x0;
	(pc) =	sbr.rel @!p0 .LBB2_2-.Ltmp0, $4  }
0xf: {  	s8 =	sadd.s32 s8, s9;
	[sflag:s7] =	ssyncadd.s32 $0xFFFFF800  }
0x10: {  	[hbm4b:s8+s2] =	stream.linear.scatter [tilespmem:s6], [sflag:$0x2], $0x800, $0x38;
	[tilespmem:$0x820] =	vst v63  }
0x11: {  	_ =	swait.ge [sflag:s3], $0x800  }
0x12: {  	s9 =	sadd.s32 $0xFFFFFFFF, s31;
	[sflag:s3] =	ssyncset.done $0x0  }
.LBB2_1:
0x13: {  	p0 =	sne.s32 s9, $0x1;
	s9 =	sadd.s32 $0xFFFFFFFF, s9;
	[sflag:s3] =	ssyncadd.s32 $0xFFFFF800  }
0x14: {  	[tilespmem:s2], [sflag:$0x2] =	stream.linear.gather [hbm4b:s4+s2], $0x20, $0x38;
	[tilespmem:$0x820] =	vst v63  }
0x15: {  	_ =	swait.ge [sflag:s3], $0x20  }
0x16: {  	[sflag:s3] =	ssyncset.done $0x0  }
0x17: {  	[sflag:s3] =	ssyncadd.s32 $0xFFFFFFE0  }
0x18: {  	[tilespmem:s6], [sflag:$0x1] =	stream.indirect.gather [hbm4b:s5+s6], $0x40, s2, s6, $0xb8;
	[tilespmem:$0x820] =	vst v63  }
0x19: {  	_ =	swait.ge [sflag:s7], $0x800  }
.Ltmp1:
0x1a: {  	[sflag:s7] =	ssyncset.done $0x0;
	(pc) =	sbr.rel @p0 .LBB2_1-.Ltmp1, $4  }
0x1b: {  	[sflag:s7] =	ssyncadd.s32 $0xFFFFF800  }
0x1c: {  	[hbm4b:s8+s2] =	stream.linear.scatter [tilespmem:s6], [sflag:$0x2], $0x800, $0x38;
	[tilespmem:$0x820] =	vst v63  }
0x1d: {  	_ =	swait.ge [sflag:s3], $0x800  }
0x1e: {  	[sflag:s3] =	ssyncset.done $0x0  }
.LBB2_2:
0x1f: {  	[sflag:s3] =	ssyncadd.s32 $0xFFFFF800  }
0x20: {  	_ =	sfence.sel $0x180000  }
0x21: {  	[bflag:$0x0] =	sbarrier.arrive $0xFFFF  }
0x22: {  	p0 =	sne.s32 s0, $0x0;
	_ =	strace $0x90000047  }
0x23: {  	s0 =	sadd.s32 @!p0 $0x100000, s1;
	[bflag:$0x2] =	sbarrier.arrive $0xFFFF  }
0x24: {  	[sflag:s0] =	ssyncadd.tile.s32 @!p0 $0x1;
	_ =	shalt  }
.Lfunc_end2:
_tile_overlayer_lowered:
.L_overlay_start_2:
0x25: {  	(tag) =	ssettag $0x2  }
0x26: {  	s0 =	rddreg [dreg:$0x0];
	s2 =	stileid.u32  }
0x27: {  	s1 =	rddreg [dreg:$0x1];
	p0 =	sne.s32 s2, $0x0  }
0x28: {  	s3 =	rddreg [dreg:$0x2];
	[bflag:$0x3] =	sbarrier.arrive $0xFFFF;
	s2 =	simm.s32 @!p0 $0x1C02  }
0x29: {  	[timem:s3], [sflag:s2] =	dma.local @!p0 [hbm:s0], s1  }
0x2a: {  	s0 =	simm.s32 @!p0 $0x2  }
0x2b: {  	_ =	swait.ge @!p0 [sflag:s0], s1  }
0x2c: {  	s1 =	ssub.s32 @!p0 $0x0, s1;
	[sflag:s0] =	ssyncset.done @!p0 $0x0  }
0x2d: {  	[sflag:s0] =	ssyncadd.s32 @!p0 s1  }
0x2e: {  	[bflag:$0x3] =	sbarrier.arrive $0xFFFF  }
0x2f: {  	_ =	shalt  }

</sc_bundles>
